<compile_context>
chip_gen: v7x
topology: tpu7x:2x2x1
jax: 0.10.2.dev20260603
libtpu: 0.0.44.dev20260713+nightly
codegen_flags: <defaults>
</compile_context>

<pallas_src>
import functools

import jax
import jax.numpy as jnp
from jax import lax
from jax.experimental import pallas as pl
from jax.experimental.pallas import tpu as pltpu
from jax.experimental.pallas import tpu_sc as plsc

_NUM_CORES = 2
_NUM_SUBCORES = 16
_NW = _NUM_CORES * _NUM_SUBCORES
_LANES = 16


def _sc_gather_t(tbT, idx):
    D, V = tbT.shape
    B = idx.shape[0]
    NCHUNK = 4
    CHUNK = B // NCHUNK

    mesh = plsc.VectorSubcoreMesh(core_axis_name="c", subcore_axis_name="s")

    @functools.partial(
        pl.kernel,
        mesh=mesh,
        out_type=jax.ShapeDtypeStruct((2 * D, B), jnp.float32),
        scratch_types=[
            pltpu.VMEM((V,), jnp.float32),
            pltpu.VMEM((B,), jnp.int32),
            pltpu.VMEM((CHUNK,), jnp.float32),
            pltpu.VMEM((CHUNK,), jnp.float32),
            pltpu.SemaphoreType.DMA,
            pltpu.SemaphoreType.DMA,
            pltpu.SemaphoreType.DMA,
        ],
        compiler_params=pltpu.CompilerParams(
            use_tc_tiling_on_sc=True, needs_layout_passes=False
        ),
    )
    def k(tbT_hbm, idx_hbm, out_hbm, row_v, idx_v, ob0, ob1, sem, os0, os1):
        wid = lax.axis_index("s") * _NUM_CORES + lax.axis_index("c")
        cp_row = pltpu.async_copy(tbT_hbm.at[wid], row_v, sem)
        pltpu.sync_copy(idx_hbm, idx_v)
        cp_row.wait()
        bufs = (ob0, ob1)
        sems = (os0, os1)
        pend = [None, None]
        for q in range(NCHUNK):
            b = q % 2
            if pend[b] is not None:
                pend[b].wait()

            @plsc.parallel_loop(0, CHUNK // _LANES, unroll=8)
            def body(i, q=q, b=b):
                iv = idx_v[pl.ds(q * CHUNK + i * _LANES, _LANES)]
                bufs[b][pl.ds(i * _LANES, _LANES)] = plsc.load_gather(row_v, [iv])

            pend[b] = pltpu.async_copy(
                bufs[b], out_hbm.at[wid, pl.ds(q * CHUNK, CHUNK)], sems[b]
            )
        for p in pend:
            p.wait()

    return k(tbT, idx)


def _mlp_t_body(alias_ref, g_ref, w1t_ref, b1_ref, w2t_ref, b2_ref, out_ref):
    del alias_ref
    g = g_ref[...]
    h1 = jnp.maximum(
        jnp.dot(w1t_ref[...], g, preferred_element_type=jnp.float32) + b1_ref[...],
        0.0,
    )
    h2 = jnp.dot(w2t_ref[...], h1, preferred_element_type=jnp.float32)
    out_ref[...] = jnp.maximum(h2 + b2_ref[...], 0.0)


def kernel(title, grade, table, W1, b1, W2, b2):
    B = title.shape[0]
    V, D = table.shape

    tbT = table.T
    outT = _sc_gather_t(tbT, title.astype(jnp.int32))

    BLK = B
    outT = pl.pallas_call(
        _mlp_t_body,
        grid=(B // BLK,),
        in_specs=[
            pl.BlockSpec(memory_space=pl.ANY),
            pl.BlockSpec((1, BLK), lambda i: (0, i)),
            pl.BlockSpec((D, 1), lambda i: (0, 0)),
            pl.BlockSpec((D, 1), lambda i: (0, 0)),
            pl.BlockSpec((D, D), lambda i: (0, 0)),
            pl.BlockSpec((D, 1), lambda i: (0, 0)),
        ],
        out_specs=pl.BlockSpec((D, BLK), lambda i: (1, i)),
        out_shape=jax.ShapeDtypeStruct((2 * D, B), jnp.float32),
        input_output_aliases={0: 0},
    )(
        outT,
        grade.reshape(1, B),
        W1.reshape(D, 1),
        b1.reshape(D, 1),
        W2.T,
        b2.reshape(D, 1),
    )
    return outT.T

# --- scband reference (transcript-rebuilt; emitter-appended) ---
"""Pipeline reference for scband-activity-model-24335284699242 (READ-ONLY COPY).

The authoritative reference and input builder live on the scoring server;
editing this copy changes nothing except your own understanding.
"""

import jax, jax.numpy as jnp
import numpy as np

VOCAB = 100001  # len(unique_activity_titles) + 1 (StringLookup OOV)
B = 16384
D = 32

def setup_inputs(seed: int = 0) -> dict:
    key = jax.random.key(seed)
    k1, k2, k3, k4, k5, k6, k7 = jax.random.split(key, 7)
    return {
        "title": jax.random.randint(k1, (B,), 0, VOCAB),
        "grade": jax.random.normal(k2, (B,), dtype=jnp.float32),
        "table": jax.random.normal(k3, (VOCAB, D), dtype=jnp.float32) * 0.02,
        "W1": jax.random.normal(k4, (1, D), dtype=jnp.float32) * 0.1,
        "b1": jnp.zeros((D,), dtype=jnp.float32),
        "W2": jax.random.normal(k5, (D, D), dtype=jnp.float32) * 0.1,
        "b2": jnp.zeros((D,), dtype=jnp.float32),
    }

def reference(title, grade, table, W1, b1, W2, b2):
    # title_lookup is modeled as pre-looked-up integer ids in [0, VOCAB)
    title_embed = jnp.take(table, title, axis=0)            # Embedding lookup [B, 32]
    g = jnp.expand_dims(grade, -1)                          # [B, 1]
    h = jax.nn.relu(g @ W1 + b1)                            # Dense(32, relu)
    h = jax.nn.relu(h @ W2 + b2)                            # Dense(32, relu)
    return jnp.concatenate([title_embed, h], axis=-1)       # [B, 64]

if __name__ == "__main__":
    import jax
    _d = setup_inputs()
    print(jax.jit(kernel)(*tuple(_d.values())))

</pallas_src>

<mosaic_0001>
#map = affine_map<(d0, d1) -> (0, 0)>
#map1 = affine_map<(d0, d1) -> (0)>
module attributes {stable_mosaic.version = 14 : i64} {
  func.func @k(%arg0: i32, %arg1: i32, %arg2: memref<32x100001xf32, #tpu.memory_space<hbm>>, %arg3: memref<16384xi32, #tpu.memory_space<hbm>>, %arg4: memref<64x16384xf32, #tpu.memory_space<hbm>>, %arg5: memref<100001xf32, #tpu.memory_space<vmem>>, %arg6: memref<16384xi32, #tpu.memory_space<vmem>>, %arg7: memref<4096xf32, #tpu.memory_space<vmem>>, %arg8: memref<4096xf32, #tpu.memory_space<vmem>>, %arg9: memref<!tpu.dma_semaphore, #tpu.memory_space<semaphore_mem>>, %arg10: memref<!tpu.dma_semaphore, #tpu.memory_space<semaphore_mem>>, %arg11: memref<!tpu.dma_semaphore, #tpu.memory_space<semaphore_mem>>) attributes {dimension_semantics = [#tpu.dimension_semantics<core_parallel>, #tpu.dimension_semantics<subcore_parallel>], iteration_bounds = array<i64: 2, 16>, scalar_prefetch = 0 : i64, scratch_operands = 7 : i64, tpu.core_type = #tpu.core_type<sc_vector_subcore>, window_params = [{transform_indices = #map}, {transform_indices = #map1}, {transform_indices = #map}]} {
    %mul3A = arith.constant 2 : i32
    %mul3A_0 = arith.muli %arg1, %mul3A : i32
    %add3A = arith.addi %mul3A_0, %arg0 : i32
    %dma_start3A = arith.constant 0 : i32
    %dma_start3A_1 = tpu.memref_slice %arg2[%add3A, %dma_start3A] : memref<32x100001xf32, #tpu.memory_space<hbm>> -> memref<1x100001xf32, #tpu.memory_space<hbm>>
    %dma_start3A_2 = tpu.memref_squeeze %dma_start3A_1 : memref<1x100001xf32, #tpu.memory_space<hbm>> -> memref<100001xf32, #tpu.memory_space<hbm>>
    %dma_start3A_3 = arith.constant 0 : i32
    %dma_start3A_4 = tpu.memref_slice %arg2[%add3A, %dma_start3A_3] : memref<32x100001xf32, #tpu.memory_space<hbm>> -> memref<1x100001xf32, #tpu.memory_space<hbm>>
    %dma_start3A_5 = tpu.memref_squeeze %dma_start3A_4 : memref<1x100001xf32, #tpu.memory_space<hbm>> -> memref<100001xf32, #tpu.memory_space<hbm>>
    tpu.enqueue_dma source(%dma_start3A_5 : memref<100001xf32, #tpu.memory_space<hbm>>) target(%arg5 : memref<100001xf32, #tpu.memory_space<vmem>>) target_semaphore(%arg9 : memref<!tpu.dma_semaphore, #tpu.memory_space<semaphore_mem>>)
    "tpu.region"() ({
      %run_scoped3A = tpu.sem_alloc : memref<!tpu.dma_semaphore, #tpu.memory_space<semaphore_mem>>
      tpu.enqueue_dma source(%arg3 : memref<16384xi32, #tpu.memory_space<hbm>>) target(%arg6 : memref<16384xi32, #tpu.memory_space<vmem>>) target_semaphore(%run_scoped3A : memref<!tpu.dma_semaphore, #tpu.memory_space<semaphore_mem>>)
      tpu.wait_dma2 semaphore(%run_scoped3A : memref<!tpu.dma_semaphore, #tpu.memory_space<semaphore_mem>>) src(%arg3 : memref<16384xi32, #tpu.memory_space<hbm>>) dst(%arg6 : memref<16384xi32, #tpu.memory_space<vmem>>)
      tpu.yield
    }) : () -> ()
    %dma_wait3A = arith.constant 0 : i32
    %dma_wait3A_6 = tpu.memref_slice %arg2[%add3A, %dma_wait3A] : memref<32x100001xf32, #tpu.memory_space<hbm>> -> memref<1x100001xf32, #tpu.memory_space<hbm>>
    %dma_wait3A_7 = tpu.memref_squeeze %dma_wait3A_6 : memref<1x100001xf32, #tpu.memory_space<hbm>> -> memref<100001xf32, #tpu.memory_space<hbm>>
    %dma_wait3A_8 = arith.constant 0 : i32
    %dma_wait3A_9 = tpu.memref_slice %arg2[%add3A, %dma_wait3A_8] : memref<32x100001xf32, #tpu.memory_space<hbm>> -> memref<1x100001xf32, #tpu.memory_space<hbm>>
    %dma_wait3A_10 = tpu.memref_squeeze %dma_wait3A_9 : memref<1x100001xf32, #tpu.memory_space<hbm>> -> memref<100001xf32, #tpu.memory_space<hbm>>
    tpu.wait_dma2 semaphore(%arg9 : memref<!tpu.dma_semaphore, #tpu.memory_space<semaphore_mem>>) src(%dma_wait3A_10 : memref<100001xf32, #tpu.memory_space<hbm>>) dst(%arg5 : memref<100001xf32, #tpu.memory_space<vmem>>)
    %parallel_loop3A = arith.constant 0 : i32
    %parallel_loop3A_11 = arith.constant 256 : i32
    %parallel_loop3A_12 = arith.constant 1 : i32
    scf.for %parallel_loop3A_70 = %parallel_loop3A to %parallel_loop3A_11 step %parallel_loop3A_12  : i32 {
      %parallel_loop3A_71 = arith.constant 16 : i32
      %parallel_loop3A_72 = arith.muli %parallel_loop3A_70, %parallel_loop3A_71 : i32
      %parallel_loop3A_73 = arith.constant 0 : i32
      %parallel_loop3A_74 = arith.addi %parallel_loop3A_73, %parallel_loop3A_72 : i32
      %parallel_loop3A_75 = arith.index_cast %parallel_loop3A_74 : i32 to index
      %parallel_loop3A_76 = tpu.vector_load %arg6[%parallel_loop3A_75] {strides = array<i32>} : memref<16384xi32, #tpu.memory_space<vmem>>, vector<16xi32>,
      %parallel_loop3A_77 = tpu.vector_load_idx %arg5[%parallel_loop3A_76] : memref<100001xf32, #tpu.memory_space<vmem>>[vector<16xi32>], vector<16xf32>,
      %parallel_loop3A_78 = arith.constant 16 : i32
      %parallel_loop3A_79 = arith.muli %parallel_loop3A_70, %parallel_loop3A_78 : i32
      %parallel_loop3A_80 = arith.index_cast %parallel_loop3A_79 : i32 to index
      %parallel_loop3A_81 = tpu.vector_load %arg7[%parallel_loop3A_80] {strides = array<i32>} : memref<4096xf32, #tpu.memory_space<vmem>>, vector<16xf32>,
      tpu.vector_store %arg7[%parallel_loop3A_80], %parallel_loop3A_77 {strides = array<i32>} : memref<4096xf32, #tpu.memory_space<vmem>>, vector<16xf32>,
    } {sc.loop_unroll_factor = 8 : i64, sc.parallel_access}
    %dma_start3A_13 = arith.constant 0 : i32
    %dma_start3A_14 = tpu.memref_slice %arg4[%add3A, %dma_start3A_13] : memref<64x16384xf32, #tpu.memory_space<hbm>> -> memref<1x4096xf32, #tpu.memory_space<hbm>>
    %dma_start3A_15 = tpu.memref_squeeze %dma_start3A_14 : memref<1x4096xf32, #tpu.memory_space<hbm>> -> memref<4096xf32, #tpu.memory_space<hbm>>
    %dma_start3A_16 = arith.constant 0 : i32
    %dma_start3A_17 = tpu.memref_slice %arg4[%add3A, %dma_start3A_16] : memref<64x16384xf32, #tpu.memory_space<hbm>> -> memref<1x4096xf32, #tpu.memory_space<hbm>>
    %dma_start3A_18 = tpu.memref_squeeze %dma_start3A_17 : memref<1x4096xf32, #tpu.memory_space<hbm>> -> memref<4096xf32, #tpu.memory_space<hbm>>
    tpu.enqueue_dma source(%arg7 : memref<4096xf32, #tpu.memory_space<vmem>>) target(%dma_start3A_18 : memref<4096xf32, #tpu.memory_space<hbm>>) target_semaphore(%arg10 : memref<!tpu.dma_semaphore, #tpu.memory_space<semaphore_mem>>)
    %parallel_loop3A_19 = arith.constant 0 : i32
    %parallel_loop3A_20 = arith.constant 256 : i32
    %parallel_loop3A_21 = arith.constant 1 : i32
    scf.for %parallel_loop3A_70 = %parallel_loop3A_19 to %parallel_loop3A_20 step %parallel_loop3A_21  : i32 {
      %parallel_loop3A_71 = arith.constant 16 : i32
      %parallel_loop3A_72 = arith.muli %parallel_loop3A_70, %parallel_loop3A_71 : i32
      %parallel_loop3A_73 = arith.constant 4096 : i32
      %parallel_loop3A_74 = arith.addi %parallel_loop3A_73, %parallel_loop3A_72 : i32
      %parallel_loop3A_75 = arith.index_cast %parallel_loop3A_74 : i32 to index
      %parallel_loop3A_76 = tpu.vector_load %arg6[%parallel_loop3A_75] {strides = array<i32>} : memref<16384xi32, #tpu.memory_space<vmem>>, vector<16xi32>,
      %parallel_loop3A_77 = tpu.vector_load_idx %arg5[%parallel_loop3A_76] : memref<100001xf32, #tpu.memory_space<vmem>>[vector<16xi32>], vector<16xf32>,
      %parallel_loop3A_78 = arith.constant 16 : i32
      %parallel_loop3A_79 = arith.muli %parallel_loop3A_70, %parallel_loop3A_78 : i32
      %parallel_loop3A_80 = arith.index_cast %parallel_loop3A_79 : i32 to index
      %parallel_loop3A_81 = tpu.vector_load %arg8[%parallel_loop3A_80] {strides = array<i32>} : memref<4096xf32, #tpu.memory_space<vmem>>, vector<16xf32>,
      tpu.vector_store %arg8[%parallel_loop3A_80], %parallel_loop3A_77 {strides = array<i32>} : memref<4096xf32, #tpu.memory_space<vmem>>, vector<16xf32>,
    } {sc.loop_unroll_factor = 8 : i64, sc.parallel_access}
    %dma_start3A_22 = arith.constant 4096 : i32
    %dma_start3A_23 = tpu.memref_slice %arg4[%add3A, %dma_start3A_22] : memref<64x16384xf32, #tpu.memory_space<hbm>> -> memref<1x4096xf32, #tpu.memory_space<hbm>>
    %dma_start3A_24 = tpu.memref_squeeze %dma_start3A_23 : memref<1x4096xf32, #tpu.memory_space<hbm>> -> memref<4096xf32, #tpu.memory_space<hbm>>
    %dma_start3A_25 = arith.constant 4096 : i32
    %dma_start3A_26 = tpu.memref_slice %arg4[%add3A, %dma_start3A_25] : memref<64x16384xf32, #tpu.memory_space<hbm>> -> memref<1x4096xf32, #tpu.memory_space<hbm>>
    %dma_start3A_27 = tpu.memref_squeeze %dma_start3A_26 : memref<1x4096xf32, #tpu.memory_space<hbm>> -> memref<4096xf32, #tpu.memory_space<hbm>>
    tpu.enqueue_dma source(%arg8 : memref<4096xf32, #tpu.memory_space<vmem>>) target(%dma_start3A_27 : memref<4096xf32, #tpu.memory_space<hbm>>) target_semaphore(%arg11 : memref<!tpu.dma_semaphore, #tpu.memory_space<semaphore_mem>>)
    %dma_wait3A_28 = arith.constant 0 : i32
    %dma_wait3A_29 = tpu.memref_slice %arg4[%add3A, %dma_wait3A_28] : memref<64x16384xf32, #tpu.memory_space<hbm>> -> memref<1x4096xf32, #tpu.memory_space<hbm>>
    %dma_wait3A_30 = tpu.memref_squeeze %dma_wait3A_29 : memref<1x4096xf32, #tpu.memory_space<hbm>> -> memref<4096xf32, #tpu.memory_space<hbm>>
    %dma_wait3A_31 = arith.constant 0 : i32
    %dma_wait3A_32 = tpu.memref_slice %arg4[%add3A, %dma_wait3A_31] : memref<64x16384xf32, #tpu.memory_space<hbm>> -> memref<1x4096xf32, #tpu.memory_space<hbm>>
    %dma_wait3A_33 = tpu.memref_squeeze %dma_wait3A_32 : memref<1x4096xf32, #tpu.memory_space<hbm>> -> memref<4096xf32, #tpu.memory_space<hbm>>
    tpu.wait_dma2 semaphore(%arg10 : memref<!tpu.dma_semaphore, #tpu.memory_space<semaphore_mem>>) src(%arg7 : memref<4096xf32, #tpu.memory_space<vmem>>) dst(%dma_wait3A_33 : memref<4096xf32, #tpu.memory_space<hbm>>)
    %parallel_loop3A_34 = arith.constant 0 : i32
    %parallel_loop3A_35 = arith.constant 256 : i32
    %parallel_loop3A_36 = arith.constant 1 : i32
    scf.for %parallel_loop3A_70 = %parallel_loop3A_34 to %parallel_loop3A_35 step %parallel_loop3A_36  : i32 {
      %parallel_loop3A_71 = arith.constant 16 : i32
      %parallel_loop3A_72 = arith.muli %parallel_loop3A_70, %parallel_loop3A_71 : i32
      %parallel_loop3A_73 = arith.constant 8192 : i32
      %parallel_loop3A_74 = arith.addi %parallel_loop3A_73, %parallel_loop3A_72 : i32
      %parallel_loop3A_75 = arith.index_cast %parallel_loop3A_74 : i32 to index
      %parallel_loop3A_76 = tpu.vector_load %arg6[%parallel_loop3A_75] {strides = array<i32>} : memref<16384xi32, #tpu.memory_space<vmem>>, vector<16xi32>,
      %parallel_loop3A_77 = tpu.vector_load_idx %arg5[%parallel_loop3A_76] : memref<100001xf32, #tpu.memory_space<vmem>>[vector<16xi32>], vector<16xf32>,
      %parallel_loop3A_78 = arith.constant 16 : i32
      %parallel_loop3A_79 = arith.muli %parallel_loop3A_70, %parallel_loop3A_78 : i32
      %parallel_loop3A_80 = arith.index_cast %parallel_loop3A_79 : i32 to index
      %parallel_loop3A_81 = tpu.vector_load %arg7[%parallel_loop3A_80] {strides = array<i32>} : memref<4096xf32, #tpu.memory_space<vmem>>, vector<16xf32>,
      tpu.vector_store %arg7[%parallel_loop3A_80], %parallel_loop3A_77 {strides = array<i32>} : memref<4096xf32, #tpu.memory_space<vmem>>, vector<16xf32>,
    } {sc.loop_unroll_factor = 8 : i64, sc.parallel_access}
    %dma_start3A_37 = arith.constant 8192 : i32
    %dma_start3A_38 = tpu.memref_slice %arg4[%add3A, %dma_start3A_37] : memref<64x16384xf32, #tpu.memory_space<hbm>> -> memref<1x4096xf32, #tpu.memory_space<hbm>>
    %dma_start3A_39 = tpu.memref_squeeze %dma_start3A_38 : memref<1x4096xf32, #tpu.memory_space<hbm>> -> memref<4096xf32, #tpu.memory_space<hbm>>
    %dma_start3A_40 = arith.constant 8192 : i32
    %dma_start3A_41 = tpu.memref_slice %arg4[%add3A, %dma_start3A_40] : memref<64x16384xf32, #tpu.memory_space<hbm>> -> memref<1x4096xf32, #tpu.memory_space<hbm>>
    %dma_start3A_42 = tpu.memref_squeeze %dma_start3A_41 : memref<1x4096xf32, #tpu.memory_space<hbm>> -> memref<4096xf32, #tpu.memory_space<hbm>>
    tpu.enqueue_dma source(%arg7 : memref<4096xf32, #tpu.memory_space<vmem>>) target(%dma_start3A_42 : memref<4096xf32, #tpu.memory_space<hbm>>) target_semaphore(%arg10 : memref<!tpu.dma_semaphore, #tpu.memory_space<semaphore_mem>>)
    %dma_wait3A_43 = arith.constant 4096 : i32
    %dma_wait3A_44 = tpu.memref_slice %arg4[%add3A, %dma_wait3A_43] : memref<64x16384xf32, #tpu.memory_space<hbm>> -> memref<1x4096xf32, #tpu.memory_space<hbm>>
    %dma_wait3A_45 = tpu.memref_squeeze %dma_wait3A_44 : memref<1x4096xf32, #tpu.memory_space<hbm>> -> memref<4096xf32, #tpu.memory_space<hbm>>
    %dma_wait3A_46 = arith.constant 4096 : i32
    %dma_wait3A_47 = tpu.memref_slice %arg4[%add3A, %dma_wait3A_46] : memref<64x16384xf32, #tpu.memory_space<hbm>> -> memref<1x4096xf32, #tpu.memory_space<hbm>>
    %dma_wait3A_48 = tpu.memref_squeeze %dma_wait3A_47 : memref<1x4096xf32, #tpu.memory_space<hbm>> -> memref<4096xf32, #tpu.memory_space<hbm>>
    tpu.wait_dma2 semaphore(%arg11 : memref<!tpu.dma_semaphore, #tpu.memory_space<semaphore_mem>>) src(%arg8 : memref<4096xf32, #tpu.memory_space<vmem>>) dst(%dma_wait3A_48 : memref<4096xf32, #tpu.memory_space<hbm>>)
    %parallel_loop3A_49 = arith.constant 0 : i32
    %parallel_loop3A_50 = arith.constant 256 : i32
    %parallel_loop3A_51 = arith.constant 1 : i32
    scf.for %parallel_loop3A_70 = %parallel_loop3A_49 to %parallel_loop3A_50 step %parallel_loop3A_51  : i32 {
      %parallel_loop3A_71 = arith.constant 16 : i32
      %parallel_loop3A_72 = arith.muli %parallel_loop3A_70, %parallel_loop3A_71 : i32
      %parallel_loop3A_73 = arith.constant 12288 : i32
      %parallel_loop3A_74 = arith.addi %parallel_loop3A_73, %parallel_loop3A_72 : i32
      %parallel_loop3A_75 = arith.index_cast %parallel_loop3A_74 : i32 to index
      %parallel_loop3A_76 = tpu.vector_load %arg6[%parallel_loop3A_75] {strides = array<i32>} : memref<16384xi32, #tpu.memory_space<vmem>>, vector<16xi32>,
      %parallel_loop3A_77 = tpu.vector_load_idx %arg5[%parallel_loop3A_76] : memref<100001xf32, #tpu.memory_space<vmem>>[vector<16xi32>], vector<16xf32>,
      %parallel_loop3A_78 = arith.constant 16 : i32
      %parallel_loop3A_79 = arith.muli %parallel_loop3A_70, %parallel_loop3A_78 : i32
      %parallel_loop3A_80 = arith.index_cast %parallel_loop3A_79 : i32 to index
      %parallel_loop3A_81 = tpu.vector_load %arg8[%parallel_loop3A_80] {strides = array<i32>} : memref<4096xf32, #tpu.memory_space<vmem>>, vector<16xf32>,
      tpu.vector_store %arg8[%parallel_loop3A_80], %parallel_loop3A_77 {strides = array<i32>} : memref<4096xf32, #tpu.memory_space<vmem>>, vector<16xf32>,
    } {sc.loop_unroll_factor = 8 : i64, sc.parallel_access}
    %dma_start3A_52 = arith.constant 12288 : i32
    %dma_start3A_53 = tpu.memref_slice %arg4[%add3A, %dma_start3A_52] : memref<64x16384xf32, #tpu.memory_space<hbm>> -> memref<1x4096xf32, #tpu.memory_space<hbm>>
    %dma_start3A_54 = tpu.memref_squeeze %dma_start3A_53 : memref<1x4096xf32, #tpu.memory_space<hbm>> -> memref<4096xf32, #tpu.memory_space<hbm>>
    %dma_start3A_55 = arith.constant 12288 : i32
    %dma_start3A_56 = tpu.memref_slice %arg4[%add3A, %dma_start3A_55] : memref<64x16384xf32, #tpu.memory_space<hbm>> -> memref<1x4096xf32, #tpu.memory_space<hbm>>
    %dma_start3A_57 = tpu.memref_squeeze %dma_start3A_56 : memref<1x4096xf32, #tpu.memory_space<hbm>> -> memref<4096xf32, #tpu.memory_space<hbm>>
    tpu.enqueue_dma source(%arg8 : memref<4096xf32, #tpu.memory_space<vmem>>) target(%dma_start3A_57 : memref<4096xf32, #tpu.memory_space<hbm>>) target_semaphore(%arg11 : memref<!tpu.dma_semaphore, #tpu.memory_space<semaphore_mem>>)
    %dma_wait3A_58 = arith.constant 8192 : i32
    %dma_wait3A_59 = tpu.memref_slice %arg4[%add3A, %dma_wait3A_58] : memref<64x16384xf32, #tpu.memory_space<hbm>> -> memref<1x4096xf32, #tpu.memory_space<hbm>>
    %dma_wait3A_60 = tpu.memref_squeeze %dma_wait3A_59 : memref<1x4096xf32, #tpu.memory_space<hbm>> -> memref<4096xf32, #tpu.memory_space<hbm>>
    %dma_wait3A_61 = arith.constant 8192 : i32
    %dma_wait3A_62 = tpu.memref_slice %arg4[%add3A, %dma_wait3A_61] : memref<64x16384xf32, #tpu.memory_space<hbm>> -> memref<1x4096xf32, #tpu.memory_space<hbm>>
    %dma_wait3A_63 = tpu.memref_squeeze %dma_wait3A_62 : memref<1x4096xf32, #tpu.memory_space<hbm>> -> memref<4096xf32, #tpu.memory_space<hbm>>
    tpu.wait_dma2 semaphore(%arg10 : memref<!tpu.dma_semaphore, #tpu.memory_space<semaphore_mem>>) src(%arg7 : memref<4096xf32, #tpu.memory_space<vmem>>) dst(%dma_wait3A_63 : memref<4096xf32, #tpu.memory_space<hbm>>)
    %dma_wait3A_64 = arith.constant 12288 : i32
    %dma_wait3A_65 = tpu.memref_slice %arg4[%add3A, %dma_wait3A_64] : memref<64x16384xf32, #tpu.memory_space<hbm>> -> memref<1x4096xf32, #tpu.memory_space<hbm>>
    %dma_wait3A_66 = tpu.memref_squeeze %dma_wait3A_65 : memref<1x4096xf32, #tpu.memory_space<hbm>> -> memref<4096xf32, #tpu.memory_space<hbm>>
    %dma_wait3A_67 = arith.constant 12288 : i32
    %dma_wait3A_68 = tpu.memref_slice %arg4[%add3A, %dma_wait3A_67] : memref<64x16384xf32, #tpu.memory_space<hbm>> -> memref<1x4096xf32, #tpu.memory_space<hbm>>
    %dma_wait3A_69 = tpu.memref_squeeze %dma_wait3A_68 : memref<1x4096xf32, #tpu.memory_space<hbm>> -> memref<4096xf32, #tpu.memory_space<hbm>>
    tpu.wait_dma2 semaphore(%arg11 : memref<!tpu.dma_semaphore, #tpu.memory_space<semaphore_mem>>) src(%arg8 : memref<4096xf32, #tpu.memory_space<vmem>>) dst(%dma_wait3A_69 : memref<4096xf32, #tpu.memory_space<hbm>>)
    return
  }
}

module attributes {stable_mosaic.version = 14 : i64} {
  func.func @_mlp_t_body(%arg0: i32, %arg1: memref<64x16384xf32, #tpu.memory_space<any>>, %arg2: memref<1x16384xf32, #tpu.memory_space<vmem>>, %arg3: memref<32x1xf32, #tpu.memory_space<vmem>>, %arg4: memref<32x1xf32, #tpu.memory_space<vmem>>, %arg5: memref<32x32xf32, #tpu.memory_space<vmem>>, %arg6: memref<32x1xf32, #tpu.memory_space<vmem>>, %arg7: memref<32x16384xf32, #tpu.memory_space<vmem>>) attributes {dimension_semantics = [#tpu.dimension_semantics<arbitrary>], iteration_bounds = array<i64: 1>, scalar_prefetch = 0 : i64, scratch_operands = 0 : i64, tpu.core_type = #tpu.core_type<tc>, window_params = [{}, {transform_indices = @transform_1, window_bounds = array<i64: 1, 16384>}, {pipeline_mode = #tpu.pipeline_mode<synchronous>, transform_indices = @transform_2, window_bounds = array<i64: 32, 1>}, {pipeline_mode = #tpu.pipeline_mode<synchronous>, transform_indices = @transform_3, window_bounds = array<i64: 32, 1>}, {pipeline_mode = #tpu.pipeline_mode<synchronous>, transform_indices = @transform_4, window_bounds = array<i64: 32, 32>}, {pipeline_mode = #tpu.pipeline_mode<synchronous>, transform_indices = @transform_5, window_bounds = array<i64: 32, 1>}, {transform_indices = @transform_6, window_bounds = array<i64: 32, 16384>}]} {
    %get3A = arith.constant 0 : index
    %get3A_0 = arith.constant 0 : index
    %get3A_1 = vector.load %arg2[%get3A, %get3A_0] : memref<1x16384xf32, #tpu.memory_space<vmem>>, vector<1x16384xf32>
    %get3A_2 = arith.constant 0 : index
    %get3A_3 = arith.constant 0 : index
    %get3A_4 = vector.load %arg3[%get3A_2, %get3A_3] : memref<32x1xf32, #tpu.memory_space<vmem>>, vector<32x1xf32>
    %dot_general3A = arith.constant dense<0.000000e+00> : vector<32x16384xf32>
    %dot_general3A_5 = tpu.matmul %get3A_4, %get3A_1, %dot_general3A {dimension_numbers = #tpu.dot_dimension_numbers<[1], [0], [0], [1], [0, 0, 1, 1], [], []>, transpose_lhs_hint = false} : vector<32x1xf32>, vector<1x16384xf32>, vector<32x16384xf32> -> vector<32x16384xf32>
    %get3A_6 = arith.constant 0 : index
    %get3A_7 = arith.constant 0 : index
    %get3A_8 = vector.load %arg4[%get3A_6, %get3A_7] : memref<32x1xf32, #tpu.memory_space<vmem>>, vector<32x1xf32>
    %add3A = vector.broadcast %get3A_8 : vector<32x1xf32> to vector<32x16384xf32>
    %add3A_9 = arith.addf %dot_general3A_5, %add3A : vector<32x16384xf32>
    %max3A = arith.constant 0.000000e+00 : f32
    %max3A_10 = vector.broadcast %max3A : f32 to vector<32x16384xf32>
    %max3A_11 = arith.maximumf %add3A_9, %max3A_10 : vector<32x16384xf32>
    %get3A_12 = arith.constant 0 : index
    %get3A_13 = arith.constant 0 : index
    %get3A_14 = vector.load %arg5[%get3A_12, %get3A_13] : memref<32x32xf32, #tpu.memory_space<vmem>>, vector<32x32xf32>
    %dot_general3A_15 = arith.constant dense<0.000000e+00> : vector<32x16384xf32>
    %dot_general3A_16 = tpu.matmul %get3A_14, %max3A_11, %dot_general3A_15 {dimension_numbers = #tpu.dot_dimension_numbers<[1], [0], [0], [1], [0, 0, 1, 1], [], []>, transpose_lhs_hint = false} : vector<32x32xf32>, vector<32x16384xf32>, vector<32x16384xf32> -> vector<32x16384xf32>
    %get3A_17 = arith.constant 0 : index
    %get3A_18 = arith.constant 0 : index
    %get3A_19 = vector.load %arg6[%get3A_17, %get3A_18] : memref<32x1xf32, #tpu.memory_space<vmem>>, vector<32x1xf32>
    %add3A_20 = vector.broadcast %get3A_19 : vector<32x1xf32> to vector<32x16384xf32>
    %add3A_21 = arith.addf %dot_general3A_16, %add3A_20 : vector<32x16384xf32>
    %max3A_22 = arith.constant 0.000000e+00 : f32
    %max3A_23 = vector.broadcast %max3A_22 : f32 to vector<32x16384xf32>
    %max3A_24 = arith.maximumf %add3A_21, %max3A_23 : vector<32x16384xf32>
    %swap3A = arith.constant 0 : index
    %swap3A_25 = arith.constant 0 : index
    %swap3A_26 = vector.load %arg7[%swap3A, %swap3A_25] : memref<32x16384xf32, #tpu.memory_space<vmem>>, vector<32x16384xf32>
    tpu.vector_store %arg7[%swap3A, %swap3A_25], %max3A_24 {strides = array<i32>} : memref<32x16384xf32, #tpu.memory_space<vmem>>, vector<32x16384xf32>,
    return
  }
  func.func @transform_1(%arg0: i32) -> (i32, i32) {
    %c0_i32 = arith.constant 0 : i32
    %c0_i32_0 = arith.constant 0 : i32
    return %c0_i32, %arg0 : i32, i32
  }
  func.func @transform_2(%arg0: i32) -> (i32, i32) {
    %c0_i32 = arith.constant 0 : i32
    %c0_i32_0 = arith.constant 0 : i32
    %c0_i32_1 = arith.constant 0 : i32
    return %c0_i32, %c0_i32_0 : i32, i32
  }
  func.func @transform_3(%arg0: i32) -> (i32, i32) {
    %c0_i32 = arith.constant 0 : i32
    %c0_i32_0 = arith.constant 0 : i32
    %c0_i32_1 = arith.constant 0 : i32
    return %c0_i32, %c0_i32_0 : i32, i32
  }
  func.func @transform_4(%arg0: i32) -> (i32, i32) {
    %c0_i32 = arith.constant 0 : i32
    %c0_i32_0 = arith.constant 0 : i32
    %c0_i32_1 = arith.constant 0 : i32
    return %c0_i32, %c0_i32_0 : i32, i32
  }
  func.func @transform_5(%arg0: i32) -> (i32, i32) {
    %c0_i32 = arith.constant 0 : i32
    %c0_i32_0 = arith.constant 0 : i32
    %c0_i32_1 = arith.constant 0 : i32
    return %c0_i32, %c0_i32_0 : i32, i32
  }
  func.func @transform_6(%arg0: i32) -> (i32, i32) {
    %c1_i32 = arith.constant 1 : i32
    %c0_i32 = arith.constant 0 : i32
    return %c1_i32, %arg0 : i32, i32
  }
}

</mosaic_0001>

<sc_bundles>
// kernel: kernel.4.cloned.1.call-start
scs
__scs_entry_jumppad:
0x0: {  	(pc) =	sbr.rel $0x88, $3  }
0x1: {  	(tag) =	ssettag $0x0;
	lr =	simm.s32 $0x1  }
0x2: {  	[smem:$0x3F9A] =	sst lr;
	_ =	strace $0xD0000000  }
0x3: {  	_ = 	snop  }
0x4: {  	_ = 	snop  }
0x5: {  	_ = 	snop  }
0x6: {  	_ = 	snop  }
0x7: {  	_ = 	snop  }
__scs_overlays_trampoline_lowered:
0x8: {  	[smem:$0x3FA9] =	sst s0  }
0x9: {  	[smem:$0x3FAA] =	sst s1  }
0xa: {  	[smem:$0x3FAB] =	sst s2  }
0xb: {  	[smem:$0x3FAC] =	sst s3  }
0xc: {  	[smem:$0x3FAD] =	sst s4  }
0xd: {  	[smem:$0x3FAE] =	sst s5  }
0xe: {  	[smem:$0x3FAF] =	sst s6  }
0xf: {  	[smem:$0x3FB0] =	sst s7  }
0x10: {  	[smem:$0x3FB1] =	sst s8  }
0x11: {  	[smem:$0x3FB2] =	sst s9;
	s0 =	simm.s32 @!p0 $0x0  }
0x12: {  	s1 =	sld [smem:$0x3F98];
	s0 =	simm.s32 @p0 $0x1  }
0x13: {  	[smem:$0x3FB3] =	sst s0;
	s0 =	simm.s32 @!p1 $0x0  }
0x14: {  	s2 =	sld [smem:$0x3F97];
	s0 =	simm.s32 @p1 $0x1  }
0x15: {  	[smem:$0x3FB4] =	sst s0;
	s0 =	simm.s32 @!p2 $0x0  }
0x16: {  	s3 =	sld [smem:$0x3FDB];
	s0 =	simm.s32 @p2 $0x1  }
0x17: {  	s4 =	simm.s32 $0x1BF5;
	[smem:$0x3FB6] =	sst s0  }
0x18: {  	s0 =	sld [smem:$0x3F99];
	_ =	swait.ge [sflag:s4], $0x0  }
0x19: {  	s7 =	sld [smem:$0x3F9A]  }
0x1a: {  	s8 =	sadd.s32 $0xFFFFE003, lr  }
0x1b: {  	s9 =	sadd.s32 $0xFFFFFEF7, lr;
	s5 =	simm.s32 $0xFFFFFFFF;
	p2 =	slt.u32 s8, $0xFFFFF086  }
0x1c: {  	p1 =	slt.u32 s9, $0xF7A;
	s5 =	simm.s32 @!p2 $0x0  }
0x1d: {  	s5 =	simm.s32 @p1 $0x1;
	p0 =	seq.s32 s7, s2  }
0x1e: {  	s7 =	smul.u32 @!p0 $0xF7A, s2;
	p2 =	seq.s32 @!p0 s5, $0x0  }
0x1f: {  	s9 =	smul.u32 $0xF7A, s1;
	s8 =	simm.s32 @!p0 $0x1BF5;
	p2 =	por !p2, p0  }
0x20: {  	[sflag:s8] =	ssyncset.s32 @!p0 $0xFFFFF086;
	s6 =	sadd.s32 @!p0 s3, s7;
	s7 =	simm.s32 @!p0 $0x108  }
0x21: {  	s3 =	sadd.s32 s3, s9;
	s6 =	sadd.s32 @!p0 $0x88, s6;
	s7 =	simm.s32 @p2 $0x1082  }
0x22: {  	[simem:s7], [sflag:s8] =	dma.local @!p0 [hbm:s6], $0xF7A  }
0x23: {  	s9 =	sor.u32 $0xD0000000, s2;
	s6 =	simm.s32 $0x108;
	_ =	swait.ge @!p0 [sflag:s8], $0x0  }
0x24: {  	s3 =	sadd.s32 $0x88, s3;
	s6 =	simm.s32 @!p1 $0x1082;
	[sflag:s4] =	ssyncset.s32 $0xFFFFF086  }
0x25: {  	[simem:s6], [sflag:s4] =	dma.local [hbm:s3], $0xF7A  }
0x26: {  	[smem:$0x3F9A] =	sst s1;
	(tag) =	ssettag s2;
	_ =	strace s9  }
0x27: {  	s1 =	sld [smem:$0x3FAA]  }
0x28: {  	s2 =	sld [smem:$0x3FAB]  }
0x29: {  	s4 =	sld [smem:$0x3FAD]  }
0x2a: {  	p0 =	seq.s32 s5, $0x0;
	s5 =	sld [smem:$0x3FAE]  }
0x2b: {  	s6 =	sld [smem:$0x3FAF]  }
0x2c: {  	s7 =	sld [smem:$0x3FB0]  }
0x2d: {  	s3 =	simm.s32 $0x108;
	s8 =	sld [smem:$0x3FB1]  }
0x2e: {  	s3 =	simm.s32 @!p0 $0x1082;
	s9 =	sld [smem:$0x3FB2]  }
0x2f: {  	lr =	sadd.s32 s0, s3;
	s0 =	sld [smem:$0x3FA9]  }
0x30: {  	s3 =	sld [smem:$0x3FAC]  }
0x31: {  	[smem:$0x3FB5] =	sst s10  }
0x32: {  	s10 =	sld [smem:$0x3FB3];
	_ =	sdelay $0x3  }
0x33: {  	p0 =	seq.s32 s10, $0x1;
	s10 =	sld [smem:$0x3FB5];
	_ =	sdelay $0x3  }
0x34: {  	[smem:$0x3FB5] =	sst s10  }
0x35: {  	s10 =	sld [smem:$0x3FB4];
	_ =	sdelay $0x3  }
0x36: {  	p1 =	seq.s32 s10, $0x1;
	s10 =	sld [smem:$0x3FB5];
	_ =	sdelay $0x3  }
0x37: {  	[smem:$0x3FB5] =	sst s10  }
0x38: {  	s10 =	sld [smem:$0x3FB6]  }
0x39: {  	_ = 	snop;
	(pc) =	sbr.ind lr, $3  }
0x3a: {  	_ = 	snop  }
0x3b: {  	_ = 	snop  }
0x3c: {  	p2 =	seq.s32 s10, $0x1;
	s10 =	sld [smem:$0x3FB5]  }
0x3d: {  	_ =	shalt  }
0x3e: {  	_ =	shalt  }
0x3f: {  	_ =	shalt  }
0x40: {  	_ =	shalt  }
0x41: {  	_ =	shalt  }
0x42: {  	_ =	shalt  }
0x43: {  	_ =	shalt  }
0x44: {  	_ =	shalt  }
0x45: {  	_ =	shalt  }
0x46: {  	_ =	shalt  }
0x47: {  	_ =	shalt  }
0x48: {  	_ =	shalt  }
0x49: {  	_ =	shalt  }
0x4a: {  	_ =	shalt  }
0x4b: {  	_ =	shalt  }
0x4c: {  	_ =	shalt  }
0x4d: {  	_ =	shalt  }
0x4e: {  	_ =	shalt  }
0x4f: {  	_ =	shalt  }
0x50: {  	_ =	shalt  }
0x51: {  	_ =	shalt  }
0x52: {  	_ =	shalt  }
0x53: {  	_ =	shalt  }
0x54: {  	_ =	shalt  }
0x55: {  	_ =	shalt  }
0x56: {  	_ =	shalt  }
0x57: {  	_ =	shalt  }
0x58: {  	_ =	shalt  }
0x59: {  	_ =	shalt  }
0x5a: {  	_ =	shalt  }
0x5b: {  	_ =	shalt  }
0x5c: {  	_ =	shalt  }
0x5d: {  	_ =	shalt  }
0x5e: {  	_ =	shalt  }
0x5f: {  	_ =	shalt  }
0x60: {  	_ =	shalt  }
0x61: {  	_ =	shalt  }
0x62: {  	_ =	shalt  }
0x63: {  	_ =	shalt  }
0x64: {  	_ =	shalt  }
0x65: {  	_ =	shalt  }
0x66: {  	_ =	shalt  }
0x67: {  	_ =	shalt  }
0x68: {  	_ =	shalt  }
0x69: {  	_ =	shalt  }
0x6a: {  	_ =	shalt  }
0x6b: {  	_ =	shalt  }
0x6c: {  	_ =	shalt  }
0x6d: {  	_ =	shalt  }
0x6e: {  	_ =	shalt  }
0x6f: {  	_ =	shalt  }
0x70: {  	_ =	shalt  }
0x71: {  	_ =	shalt  }
0x72: {  	_ =	shalt  }
0x73: {  	_ =	shalt  }
0x74: {  	_ =	shalt  }
0x75: {  	_ =	shalt  }
0x76: {  	_ =	shalt  }
0x77: {  	_ =	shalt  }
0x78: {  	_ =	shalt  }
0x79: {  	_ =	shalt  }
0x7a: {  	_ =	shalt  }
0x7b: {  	_ =	shalt  }
0x7c: {  	_ =	shalt  }
0x7d: {  	_ =	shalt  }
0x7e: {  	_ =	shalt  }
0x7f: {  	_ =	shalt  }
0x80: {  	_ =	shalt  }
0x81: {  	_ =	shalt  }
0x82: {  	_ =	shalt  }
0x83: {  	_ =	shalt  }
0x84: {  	_ =	shalt  }
0x85: {  	_ =	shalt  }
0x86: {  	_ =	shalt  }
0x87: {  	_ =	shalt  }
.Lfunc_end0:
.L_simem_size_0:
called_computation_lowered:
.L_overlay_start_0:
0x88: {  	s2 =	sld [smem:$0x3FD9]  }
0x89: {  	s3 =	sld [smem:$0x3FFE];
	_ =	sdelay $0x1  }
0x8a: {  	s1 =	srdreg.scid  }
0x8b: {  	s0 =	sand.u32 $0x1, s1  }
0x8c: {  	s18 =	sshll.u32 s0, $0xA;
	s2 =	sadd.s32 s3, s2  }
0x8d: {  	s2 =	sadd.s32 s2, s18  }
0x8e: {  	[smem:$0x3FC1] =	sst s2  }
0x8f: {  	_ = 	snop  }
0x90: {  	s2 =	sld [smem:$0x3FC9]  }
0x91: {  	s19 =	sld [smem:$0x3FC7]  }
0x92: {  	s4 =	sld [smem:$0x3FD0];
	(tm) =	ssettm $0x1  }
0x93: {  	s5 =	sld [smem:$0x3FFB];
	_ =	sdelay $0x3  }
0x94: {  	_ =	strace s5  }
0x95: {  	s5 =	sld [smem:$0x3FFC];
	_ =	sdelay $0x3  }
0x96: {  	_ =	strace s5  }
0x97: {  	s5 =	sld [smem:$0x3FFD];
	_ =	sdelay $0x3  }
0x98: {  	_ =	strace s5  }
0x99: {  	_ =	strace $0x8FFFFFFF  }
0x9a: {  	s20 =	sld [smem:$0x3FDB];
	_ =	sdelay $0x1  }
0x9b: {  	s6 =	simm.s32 $_scs_section_size  }
0x9c: {  	s7 =	simm.s32 $_size__tile_overlayer_lowered;
	s8 =	simm.s32 $_tile_overlayer_lowered  }
0x9d: {  	s23 =	simm.s32 $0x1BFF;
	s22 =	sshll.u32 s8, $0x1;
	s5 =	sadd.s32 s6, s20  }
0x9e: {  	s9 =	simm.s32 $0x0;
	s21 =	sshll.u32 s7, $0x1;
	s7 =	sadd.s32 s22, s5  }
0x9f: {  	[timem:s9], [sflag:s23] =	dma.local [hbm:s7], s21  }
0xa0: {  	_ =	swait.ge [sflag:s23], s21  }
0xa1: {  	s6 =	ssub.s32 $0x0, s21;
	[sflag:s23] =	ssyncset.done $0x0  }
0xa2: {  	[sflag:s23] =	ssyncadd.s32 s6;
	_ =	sdelay $0x1  }
0xa3: {  	s24 =	simm.s32 $0x1B8B  }
0xa4: {  	_ =	swait.ge [sflag:s24], $0x1  }
0xa5: {  	[sflag:s24] =	ssyncset.done $0x0  }
0xa6: {  	s25 =	simm.s32 $0x1B8E;
	[sflag:s24] =	ssyncadd.s32 $0xFFFFFFFF  }
0xa7: {  	s26 =	simm.s32 $execute0_lowered;
	[smem:$0x3FD2] =	sst s25  }
0xa8: {  	s6 =	sshll.u32 s26, $0x1;
	_ =	strace $0x80000046;
	[dreg:$0x1] =	wrdreg $0xFFFFFFFF  }
0xa9: {  	s28 =	simm.s32 $_size_execute0_lowered;
	s5 =	sadd.s32 s5, s6;
	[dreg:$0x0] =	wrdreg $0x0  }
0xaa: {  	s6 =	sshll.u32 s28, $0x1;
	[dreg:$0x2] =	wrdreg s5  }
0xab: {  	[dreg:$0x3] =	wrdreg s6  }
0xac: {  	[dreg:$0x4] =	wrdreg $0xC0  }
0xad: {  	_ =	task [dreg:s9], $0x5FFFF  }
0xae: {  	[dreg:$0x1] =	wrdreg $0xFFFFFFFF  }
0xaf: {  	[dreg:$0x0] =	wrdreg $0x60  }
0xb0: {  	[dreg:$0x2] =	wrdreg s19  }
0xb1: {  	[dreg:$0x3] =	wrdreg s2  }
0xb2: {  	[dreg:$0x4] =	wrdreg s4  }
0xb3: {  	[dreg:$0x5] =	wrdreg $0x9  }
0xb4: {  	_ =	task.clear_ibuf [dreg:s9], $0x6FFFF;
	_ =	strace $0x90000046  }
0xb5: {  	s29 =	simm.s32 $0x9;
	_ =	strace $0x80000048  }
0xb6: {  	_ =	swait.ge [sflag:s29], $0x1  }
0xb7: {  	[sflag:s29] =	ssyncadd.s32 $0xFFFFFFFF  }
0xb8: {  	_ =	strace $0x90000048  }
0xb9: {  	_ =	sfence  }
0xba: {  	s30 =	sld [smem:$0x0];
	_ =	sdelay $0x2  }
0xbb: {  	s31 =	sshll.u32 s1, $0xD;
	s1 =	sshrl.u32 s1, $0x2  }
0xbc: {  	s3 =	sand.u32 $0x4000, s31;
	s1 =	sadd.s32 s1, s30  }
0xbd: {  	s0 =	sor.u32 s3, s0;
	s1 =	sshll.u32 s1, $0x11  }
0xbe: {  	s0 =	sor.u32 s1, s0  }
0xbf: {  	s0 =	sadd.s32 $0x8F2B, s0  }
0xc0: {  	[sflag:s0] =	ssyncadd.remote.s32 $0x1  }
0xc1: {  	_ =	sfence.sel $0xFFFF  }
0xc2: {  	[dreg:$0x0] =	wrdreg $0xFFFFFFFF;
	(pc) =	sbr.abs _section_cstart, $3  }
0xc3: {  	[dreg:$0x1] =	wrdreg $0xFFFFFFFF  }
0xc4: {  	_ =	task.clear_ibuf [dreg:s9], $0x2FFFF;
	_ =	strace $0x9FFFFFFF  }
0xc5: {  	(tm) =	ssettm $0x7FFFFFFF  }
tec
execute0_lowered:
.L_overlay_start_1:
0x0: {  	(tag) =	ssettag $0x1  }
0x1: {  	s5 =	rddreg [dreg:$0x0]  }
0x2: {  	s1 =	rddreg [dreg:$0x1]  }
0x3: {  	s4 =	rddreg [dreg:$0x2]  }
0x4: {  	s0 =	rddreg [dreg:$0x3]  }
0x5: {  	s3 =	simm.s32 $0x0;
	s6 =	srdreg.scid;
	s2 =	stileid.u32  }
0x6: {  	s11 =	simm.s32 $0x400;
	s12 =	simm.s32 $0x18700;
	s13 =	simm.s32 $0x4  }
0x7: {  	s14 =	simm.s32 $0x1;
	s15 =	simm.s32 $0x1C700;
	s16 =	simm.s32 $0x1D700  }
0x8: {  	s17 =	simm.s32 $0x2;
	s18 =	simm.s32 $0x3;
	s19 =	simm.s32 $0x0  }
0x9: {  	[smem:$0x7FF] =	sst s3;
	s6 =	sand.u32 $0x1, s6;
	s7 =	sshll.u32 s2, $0x8  }
0xa: {  	s8 =	sshrl.u32 s2, $0x2;
	s9 =	sshll.u32 s6, $0x7;
	s7 =	sand.u32 $0x300, s7  }
0xb: {  	s29 =	smul.u32 $0xC3800, s8;
	s8 =	sshll.u32 s8, $0x11;
	s6 =	ssub.s32 $0x2, s6  }
0xc: {  	_ =	strace $0x80000047;
	s7 =	sor.u32 s9, s7;
	s10 =	sshrl.u32 s6, $0x1  }
0xd: {  	s8 =	sor.u32 s8, s7;
	s7 =	sor.u32 s29, s7;
	s30 =	ssub.s32 s6, s10  }
0xe: {  	s10 =	simm.s32 $0x80;
	s8 =	sshrl.u32 s8, $0x3;
	s31 =	sshrl.u32 s7, $0x3  }
0xf: {  	s9 =	smax.u32 s30, $0x1;
	s4 =	sadd.s32 s4, s8;
	s5 =	sadd.s32 s5, s31  }
0x10: {  	s6 =	sadd.s32 $0x1000, s4;
	s7 =	sadd.s32 $0x2000, s4;
	s8 =	sadd.s32 $0x3000, s4  }
.LBB2_1:
0x11: {  	[tilespmem:s3], [sflag:$0x1] =	stream.strided.gather [hbm4b:s5+s10], $0x18700, s11, s10, $0x38;
	[tilespmem:$0x1E700] =	vst v63  }
0x12: {  	_ = 	snop  }
0x13: {  	[tilespmem:s12], [sflag:$0x4] =	stream.linear.gather [hbm4b:s1+s3], $0x4000, $0x38;
	[tilespmem:$0x1E700] =	vst v63  }
0x14: {  	_ =	swait.ge [sflag:s13], $0x4000  }
0x15: {  	[sflag:s13] =	ssyncset.done $0x0  }
0x16: {  	[sflag:s13] =	ssyncadd.s32 $0xFFFFC000  }
0x17: {  	_ =	swait.ge [sflag:s14], $0x18700  }
0x18: {  	[sflag:s14] =	ssyncset.done $0x0  }
0x19: {  	s20 =	simm.s32 $0x18740;
	[sflag:s14] =	ssyncadd.s32 $0xFFFE7900  }
0x1a: {  	v0 =	vld [tilespmem:s20+$0x30]  }
0x1b: {  	v1 =	vld [tilespmem:s20+$0xFFFFFFD0]  }
0x1c: {  	v2 =	vld [tilespmem:s20+$0xFFFFFFE0]  }
0x1d: {  	v3 =	vld [tilespmem:s20+$0xFFFFFFF0]  }
0x1e: {  	v4 =	vld [tilespmem:s20+$0x0]  }
0x1f: {  	v6 =	vld [tilespmem:s20+$0x10]  }
0x20: {  	v7 =	vld [tilespmem:s20+$0x20]  }
0x21: {  	v8 =	vld [tilespmem:s20+$0xFFFFFFC0]  }
0x22: {  	v9 =	vld.idx.msk [tilespmem:v0+s3+$0x0], $0xffff  }
0x23: {  	v10 =	vld.idx.msk [tilespmem:v1+s3+$0x0], $0xffff  }
0x24: {  	v5 =	vld.idx.msk [tilespmem:v2+s3+$0x0], $0xffff  }
0x25: {  	v3 =	vld.idx.msk [tilespmem:v3+s3+$0x0], $0xffff  }
0x26: {  	v0 =	vld.idx.msk [tilespmem:v4+s3+$0x0], $0xffff  }
0x27: {  	s20 =	simm.s32 $0x1C740;
	v1 =	vld.idx.msk [tilespmem:v6+s3+$0x0], $0xffff  }
0x28: {  	v2 =	vld.idx.msk [tilespmem:v7+s3+$0x0], $0xffff;
	[tilespmem:s20+$0x30] =	vst v9  }
0x29: {  	s21 =	simm.s32 $0x0;
	s22 =	simm.s32 $0x187C0;
	v4 =	vld.idx.msk [tilespmem:v8+s3+$0x0], $0xffff;
	[tilespmem:s20+$0xFFFFFFD0] =	vst v10  }
.LBB2_2:
0x2a: {  	v6 =	vld [tilespmem:s22+$0x30];
	s21 =	sadd.s32 $0x8, s21;
	[tilespmem:s20+$0xFFFFFFE0] =	vst v5  }
0x2b: {  	v5 =	vld [tilespmem:s22+$0xFFFFFFD0];
	p0 =	slt.u32 s21, $0xF8;
	[tilespmem:s20+$0xFFFFFFF0] =	vst v3  }
0x2c: {  	v3 =	vld [tilespmem:s22+$0xFFFFFFE0];
	[tilespmem:s20+$0x0] =	vst v0  }
0x2d: {  	v0 =	vld [tilespmem:s22+$0xFFFFFFF0];
	[tilespmem:s20+$0x10] =	vst v1  }
0x2e: {  	v1 =	vld [tilespmem:s22+$0x0];
	[tilespmem:s20+$0x20] =	vst v2  }
0x2f: {  	v2 =	vld [tilespmem:s22+$0x10];
	[tilespmem:s20+$0xFFFFFFC0] =	vst v4  }
0x30: {  	v4 =	vld [tilespmem:s22+$0x20]  }
0x31: {  	v7 =	vld [tilespmem:s22+$0xFFFFFFC0]  }
0x32: {  	v6 =	vld.idx.msk [tilespmem:v6+s3+$0x0], $0xffff  }
0x33: {  	v8 =	vld.idx.msk [tilespmem:v5+s3+$0x0], $0xffff  }
0x34: {  	v5 =	vld.idx.msk [tilespmem:v3+s3+$0x0], $0xffff  }
.Ltmp0:
0x35: {  	v3 =	vld.idx.msk [tilespmem:v0+s3+$0x0], $0xffff;
	(pc) =	sbr.rel @p0 .LBB2_2-.Ltmp0, $4  }
0x36: {  	v0 =	vld.idx.msk [tilespmem:v1+s3+$0x0], $0xffff  }
0x37: {  	s20 =	sadd.s32 $0x80, s20;
	v1 =	vld.idx.msk [tilespmem:v2+s3+$0x0], $0xffff  }
0x38: {  	v2 =	vld.idx.msk [tilespmem:v4+s3+$0x0], $0xffff;
	[tilespmem:s20+$0x30] =	vst v6  }
0x39: {  	s22 =	sadd.s32 $0x80, s22;
	v4 =	vld.idx.msk [tilespmem:v7+s3+$0x0], $0xffff;
	[tilespmem:s20+$0xFFFFFFD0] =	vst v8  }
0x3a: {  	[tilespmem:s20+$0xFFFFFFE0] =	vst v5  }
0x3b: {  	[tilespmem:s20+$0xFFFFFFF0] =	vst v3  }
0x3c: {  	[tilespmem:s20+$0x0] =	vst v0  }
0x3d: {  	[tilespmem:s20+$0x10] =	vst v1  }
0x3e: {  	[tilespmem:s20+$0x20] =	vst v2  }
0x3f: {  	s31 =	simm.s32 $0x19770;
	[tilespmem:s20+$0xFFFFFFC0] =	vst v4  }
0x40: {  	[hbm4b:s4+s10] =	stream.strided.scatter [tilespmem:s15], [sflag:$0x2], $0x1000, s11, s10, $0x38;
	[tilespmem:$0x1E700] =	vst v63  }
0x41: {  	v0 =	vld [tilespmem:s31+$0x0]  }
0x42: {  	v1 =	vld [tilespmem:s31+$0xFFFFFFA0]  }
0x43: {  	v2 =	vld [tilespmem:s31+$0xFFFFFFB0]  }
0x44: {  	v3 =	vld [tilespmem:s31+$0xFFFFFFC0]  }
0x45: {  	v4 =	vld [tilespmem:s31+$0xFFFFFFD0]  }
0x46: {  	v6 =	vld [tilespmem:s31+$0xFFFFFFE0]  }
0x47: {  	v7 =	vld [tilespmem:s31+$0xFFFFFFF0]  }
0x48: {  	v8 =	vld [tilespmem:s31+$0xFFFFFF90]  }
0x49: {  	v9 =	vld.idx.msk [tilespmem:v0+s3+$0x0], $0xffff  }
0x4a: {  	v10 =	vld.idx.msk [tilespmem:v1+s3+$0x0], $0xffff  }
0x4b: {  	v5 =	vld.idx.msk [tilespmem:v2+s3+$0x0], $0xffff  }
0x4c: {  	v3 =	vld.idx.msk [tilespmem:v3+s3+$0x0], $0xffff  }
0x4d: {  	v0 =	vld.idx.msk [tilespmem:v4+s3+$0x0], $0xffff  }
0x4e: {  	s20 =	simm.s32 $0x1D740;
	v1 =	vld.idx.msk [tilespmem:v6+s3+$0x0], $0xffff  }
0x4f: {  	v2 =	vld.idx.msk [tilespmem:v7+s3+$0x0], $0xffff;
	[tilespmem:s20+$0x30] =	vst v9  }
0x50: {  	s21 =	simm.s32 $0x0;
	s22 =	simm.s32 $0x197F0;
	v4 =	vld.idx.msk [tilespmem:v8+s3+$0x0], $0xffff;
	[tilespmem:s20+$0xFFFFFFD0] =	vst v10  }
.LBB2_4:
0x51: {  	v6 =	vld [tilespmem:s22+$0x0];
	s21 =	sadd.s32 $0x8, s21;
	[tilespmem:s20+$0xFFFFFFE0] =	vst v5  }
0x52: {  	v5 =	vld [tilespmem:s22+$0xFFFFFFA0];
	p0 =	slt.u32 s21, $0xF8;
	[tilespmem:s20+$0xFFFFFFF0] =	vst v3  }
0x53: {  	v3 =	vld [tilespmem:s22+$0xFFFFFFB0];
	[tilespmem:s20+$0x0] =	vst v0  }
0x54: {  	v0 =	vld [tilespmem:s22+$0xFFFFFFC0];
	[tilespmem:s20+$0x10] =	vst v1  }
0x55: {  	v1 =	vld [tilespmem:s22+$0xFFFFFFD0];
	[tilespmem:s20+$0x20] =	vst v2  }
0x56: {  	v2 =	vld [tilespmem:s22+$0xFFFFFFE0];
	[tilespmem:s20+$0xFFFFFFC0] =	vst v4  }
0x57: {  	v4 =	vld [tilespmem:s22+$0xFFFFFFF0]  }
0x58: {  	v7 =	vld [tilespmem:s22+$0xFFFFFF90]  }
0x59: {  	v6 =	vld.idx.msk [tilespmem:v6+s3+$0x0], $0xffff  }
0x5a: {  	v8 =	vld.idx.msk [tilespmem:v5+s3+$0x0], $0xffff  }
0x5b: {  	v5 =	vld.idx.msk [tilespmem:v3+s3+$0x0], $0xffff  }
.Ltmp1:
0x5c: {  	v3 =	vld.idx.msk [tilespmem:v0+s3+$0x0], $0xffff;
	(pc) =	sbr.rel @p0 .LBB2_4-.Ltmp1, $4  }
0x5d: {  	v0 =	vld.idx.msk [tilespmem:v1+s3+$0x0], $0xffff  }
0x5e: {  	s20 =	sadd.s32 $0x80, s20;
	v1 =	vld.idx.msk [tilespmem:v2+s3+$0x0], $0xffff  }
0x5f: {  	v2 =	vld.idx.msk [tilespmem:v4+s3+$0x0], $0xffff;
	[tilespmem:s20+$0x30] =	vst v6  }
0x60: {  	s22 =	sadd.s32 $0x80, s22;
	v4 =	vld.idx.msk [tilespmem:v7+s3+$0x0], $0xffff;
	[tilespmem:s20+$0xFFFFFFD0] =	vst v8  }
0x61: {  	[tilespmem:s20+$0xFFFFFFE0] =	vst v5  }
0x62: {  	[tilespmem:s20+$0xFFFFFFF0] =	vst v3  }
0x63: {  	[tilespmem:s20+$0x0] =	vst v0  }
0x64: {  	[tilespmem:s20+$0x10] =	vst v1  }
0x65: {  	[tilespmem:s20+$0x20] =	vst v2  }
0x66: {  	[tilespmem:s20+$0xFFFFFFC0] =	vst v4  }
0x67: {  	[hbm4b:s6+s10] =	stream.strided.scatter [tilespmem:s16], [sflag:$0x3], $0x1000, s11, s10, $0x38;
	[tilespmem:$0x1E700] =	vst v63  }
0x68: {  	_ =	swait.ge [sflag:s17], $0x1000  }
0x69: {  	[sflag:s17] =	ssyncset.done $0x0  }
0x6a: {  	s31 =	simm.s32 $0x1A770;
	[sflag:s17] =	ssyncadd.s32 $0xFFFFF000  }
0x6b: {  	v0 =	vld [tilespmem:s31+$0x0]  }
0x6c: {  	v1 =	vld [tilespmem:s31+$0xFFFFFFA0]  }
0x6d: {  	v2 =	vld [tilespmem:s31+$0xFFFFFFB0]  }
0x6e: {  	v3 =	vld [tilespmem:s31+$0xFFFFFFC0]  }
0x6f: {  	v4 =	vld [tilespmem:s31+$0xFFFFFFD0]  }
0x70: {  	v6 =	vld [tilespmem:s31+$0xFFFFFFE0]  }
0x71: {  	v7 =	vld [tilespmem:s31+$0xFFFFFFF0]  }
0x72: {  	v8 =	vld [tilespmem:s31+$0xFFFFFF90]  }
0x73: {  	v9 =	vld.idx.msk [tilespmem:v0+s3+$0x0], $0xffff  }
0x74: {  	v10 =	vld.idx.msk [tilespmem:v1+s3+$0x0], $0xffff  }
0x75: {  	v5 =	vld.idx.msk [tilespmem:v2+s3+$0x0], $0xffff  }
0x76: {  	v3 =	vld.idx.msk [tilespmem:v3+s3+$0x0], $0xffff  }
0x77: {  	v0 =	vld.idx.msk [tilespmem:v4+s3+$0x0], $0xffff  }
0x78: {  	s20 =	simm.s32 $0x1C740;
	v1 =	vld.idx.msk [tilespmem:v6+s3+$0x0], $0xffff  }
0x79: {  	v2 =	vld.idx.msk [tilespmem:v7+s3+$0x0], $0xffff;
	[tilespmem:s20+$0x30] =	vst v9  }
0x7a: {  	s21 =	simm.s32 $0x0;
	s22 =	simm.s32 $0x1A7F0;
	v4 =	vld.idx.msk [tilespmem:v8+s3+$0x0], $0xffff;
	[tilespmem:s20+$0xFFFFFFD0] =	vst v10  }
.LBB2_6:
0x7b: {  	v6 =	vld [tilespmem:s22+$0x0];
	s21 =	sadd.s32 $0x8, s21;
	[tilespmem:s20+$0xFFFFFFE0] =	vst v5  }
0x7c: {  	v5 =	vld [tilespmem:s22+$0xFFFFFFA0];
	p0 =	slt.u32 s21, $0xF8;
	[tilespmem:s20+$0xFFFFFFF0] =	vst v3  }
0x7d: {  	v3 =	vld [tilespmem:s22+$0xFFFFFFB0];
	[tilespmem:s20+$0x0] =	vst v0  }
0x7e: {  	v0 =	vld [tilespmem:s22+$0xFFFFFFC0];
	[tilespmem:s20+$0x10] =	vst v1  }
0x7f: {  	v1 =	vld [tilespmem:s22+$0xFFFFFFD0];
	[tilespmem:s20+$0x20] =	vst v2  }
0x80: {  	v2 =	vld [tilespmem:s22+$0xFFFFFFE0];
	[tilespmem:s20+$0xFFFFFFC0] =	vst v4  }
0x81: {  	v4 =	vld [tilespmem:s22+$0xFFFFFFF0]  }
0x82: {  	v7 =	vld [tilespmem:s22+$0xFFFFFF90]  }
0x83: {  	v6 =	vld.idx.msk [tilespmem:v6+s3+$0x0], $0xffff  }
0x84: {  	v8 =	vld.idx.msk [tilespmem:v5+s3+$0x0], $0xffff  }
0x85: {  	v5 =	vld.idx.msk [tilespmem:v3+s3+$0x0], $0xffff  }
.Ltmp2:
0x86: {  	v3 =	vld.idx.msk [tilespmem:v0+s3+$0x0], $0xffff;
	(pc) =	sbr.rel @p0 .LBB2_6-.Ltmp2, $4  }
0x87: {  	v0 =	vld.idx.msk [tilespmem:v1+s3+$0x0], $0xffff  }
0x88: {  	s20 =	sadd.s32 $0x80, s20;
	v1 =	vld.idx.msk [tilespmem:v2+s3+$0x0], $0xffff  }
0x89: {  	v2 =	vld.idx.msk [tilespmem:v4+s3+$0x0], $0xffff;
	[tilespmem:s20+$0x30] =	vst v6  }
0x8a: {  	s22 =	sadd.s32 $0x80, s22;
	v4 =	vld.idx.msk [tilespmem:v7+s3+$0x0], $0xffff;
	[tilespmem:s20+$0xFFFFFFD0] =	vst v8  }
0x8b: {  	[tilespmem:s20+$0xFFFFFFE0] =	vst v5  }
0x8c: {  	[tilespmem:s20+$0xFFFFFFF0] =	vst v3  }
0x8d: {  	[tilespmem:s20+$0x0] =	vst v0  }
0x8e: {  	[tilespmem:s20+$0x10] =	vst v1  }
0x8f: {  	[tilespmem:s20+$0x20] =	vst v2  }
0x90: {  	[tilespmem:s20+$0xFFFFFFC0] =	vst v4  }
0x91: {  	[hbm4b:s7+s10] =	stream.strided.scatter [tilespmem:s15], [sflag:$0x2], $0x1000, s11, s10, $0x38;
	[tilespmem:$0x1E700] =	vst v63  }
0x92: {  	_ =	swait.ge [sflag:s18], $0x1000  }
0x93: {  	[sflag:s18] =	ssyncset.done $0x0  }
0x94: {  	s31 =	simm.s32 $0x1B770;
	[sflag:s18] =	ssyncadd.s32 $0xFFFFF000  }
0x95: {  	v0 =	vld [tilespmem:s31+$0x0]  }
0x96: {  	v1 =	vld [tilespmem:s31+$0xFFFFFFA0]  }
0x97: {  	v2 =	vld [tilespmem:s31+$0xFFFFFFB0]  }
0x98: {  	v3 =	vld [tilespmem:s31+$0xFFFFFFC0]  }
0x99: {  	v4 =	vld [tilespmem:s31+$0xFFFFFFD0]  }
0x9a: {  	v6 =	vld [tilespmem:s31+$0xFFFFFFE0]  }
0x9b: {  	v7 =	vld [tilespmem:s31+$0xFFFFFFF0]  }
0x9c: {  	v8 =	vld [tilespmem:s31+$0xFFFFFF90]  }
0x9d: {  	v9 =	vld.idx.msk [tilespmem:v0+s3+$0x0], $0xffff  }
0x9e: {  	v10 =	vld.idx.msk [tilespmem:v1+s3+$0x0], $0xffff  }
0x9f: {  	v5 =	vld.idx.msk [tilespmem:v2+s3+$0x0], $0xffff  }
0xa0: {  	v3 =	vld.idx.msk [tilespmem:v3+s3+$0x0], $0xffff  }
0xa1: {  	v0 =	vld.idx.msk [tilespmem:v4+s3+$0x0], $0xffff  }
0xa2: {  	s20 =	simm.s32 $0x1D740;
	v1 =	vld.idx.msk [tilespmem:v6+s3+$0x0], $0xffff  }
0xa3: {  	v2 =	vld.idx.msk [tilespmem:v7+s3+$0x0], $0xffff;
	[tilespmem:s20+$0x30] =	vst v9  }
0xa4: {  	s21 =	simm.s32 $0x0;
	s22 =	simm.s32 $0x1B7F0;
	v4 =	vld.idx.msk [tilespmem:v8+s3+$0x0], $0xffff;
	[tilespmem:s20+$0xFFFFFFD0] =	vst v10  }
.LBB2_8:
0xa5: {  	v6 =	vld [tilespmem:s22+$0x0];
	s21 =	sadd.s32 $0x8, s21;
	[tilespmem:s20+$0xFFFFFFE0] =	vst v5  }
0xa6: {  	v5 =	vld [tilespmem:s22+$0xFFFFFFA0];
	p0 =	slt.u32 s21, $0xF8;
	[tilespmem:s20+$0xFFFFFFF0] =	vst v3  }
0xa7: {  	v3 =	vld [tilespmem:s22+$0xFFFFFFB0];
	[tilespmem:s20+$0x0] =	vst v0  }
0xa8: {  	v0 =	vld [tilespmem:s22+$0xFFFFFFC0];
	[tilespmem:s20+$0x10] =	vst v1  }
0xa9: {  	v1 =	vld [tilespmem:s22+$0xFFFFFFD0];
	[tilespmem:s20+$0x20] =	vst v2  }
0xaa: {  	v2 =	vld [tilespmem:s22+$0xFFFFFFE0];
	[tilespmem:s20+$0xFFFFFFC0] =	vst v4  }
0xab: {  	v4 =	vld [tilespmem:s22+$0xFFFFFFF0]  }
0xac: {  	v7 =	vld [tilespmem:s22+$0xFFFFFF90]  }
0xad: {  	v6 =	vld.idx.msk [tilespmem:v6+s3+$0x0], $0xffff  }
0xae: {  	v8 =	vld.idx.msk [tilespmem:v5+s3+$0x0], $0xffff  }
0xaf: {  	v5 =	vld.idx.msk [tilespmem:v3+s3+$0x0], $0xffff  }
.Ltmp3:
0xb0: {  	v3 =	vld.idx.msk [tilespmem:v0+s3+$0x0], $0xffff;
	(pc) =	sbr.rel @p0 .LBB2_8-.Ltmp3, $4  }
0xb1: {  	v0 =	vld.idx.msk [tilespmem:v1+s3+$0x0], $0xffff  }
0xb2: {  	s20 =	sadd.s32 $0x80, s20;
	v1 =	vld.idx.msk [tilespmem:v2+s3+$0x0], $0xffff  }
0xb3: {  	v2 =	vld.idx.msk [tilespmem:v4+s3+$0x0], $0xffff;
	[tilespmem:s20+$0x30] =	vst v6  }
0xb4: {  	s22 =	sadd.s32 $0x80, s22;
	v4 =	vld.idx.msk [tilespmem:v7+s3+$0x0], $0xffff;
	[tilespmem:s20+$0xFFFFFFD0] =	vst v8  }
0xb5: {  	[tilespmem:s20+$0xFFFFFFE0] =	vst v5  }
0xb6: {  	[tilespmem:s20+$0xFFFFFFF0] =	vst v3  }
0xb7: {  	[tilespmem:s20+$0x0] =	vst v0  }
0xb8: {  	[tilespmem:s20+$0x10] =	vst v1  }
0xb9: {  	[tilespmem:s20+$0x20] =	vst v2  }
0xba: {  	s19 =	sadd.s32 $0x1, s19;
	[tilespmem:s20+$0xFFFFFFC0] =	vst v4  }
0xbb: {  	[hbm4b:s8+s10] =	stream.strided.scatter [tilespmem:s16], [sflag:$0x3], $0x1000, s11, s10, $0x38;
	[tilespmem:$0x1E700] =	vst v63  }
0xbc: {  	p0 =	sne.s32 s19, s9;
	_ =	swait.ge [sflag:s17], $0x1000  }
.Ltmp4:
0xbd: {  	[sflag:s17] =	ssyncset.done $0x0;
	(pc) =	sbr.rel @p0 .LBB2_1-.Ltmp4, $4  }
0xbe: {  	[sflag:s17] =	ssyncadd.s32 $0xFFFFF000  }
0xbf: {  	_ =	swait.ge [sflag:s18], $0x1000  }
0xc0: {  	[sflag:s18] =	ssyncset.done $0x0  }
0xc1: {  	[sflag:s18] =	ssyncadd.s32 $0xFFFFF000  }
0xc2: {  	_ =	sfence.sel $0x180000  }
0xc3: {  	[bflag:$0x0] =	sbarrier.arrive $0xFFFF  }
0xc4: {  	p0 =	sne.s32 s2, $0x0;
	_ =	strace $0x90000047  }
0xc5: {  	s0 =	sadd.s32 @!p0 $0x100000, s0;
	[bflag:$0x2] =	sbarrier.arrive $0xFFFF  }
0xc6: {  	[sflag:s0] =	ssyncadd.tile.s32 @!p0 $0x1;
	_ =	shalt  }
.Lfunc_end2:
_tile_overlayer_lowered:
.L_overlay_start_2:
0xc7: {  	(tag) =	ssettag $0x2  }
0xc8: {  	s0 =	rddreg [dreg:$0x0];
	s2 =	stileid.u32  }
0xc9: {  	s1 =	rddreg [dreg:$0x1];
	p0 =	sne.s32 s2, $0x0  }
0xca: {  	s3 =	rddreg [dreg:$0x2];
	[bflag:$0x3] =	sbarrier.arrive $0xFFFF;
	s2 =	simm.s32 @!p0 $0x1C04  }
0xcb: {  	[timem:s3], [sflag:s2] =	dma.local @!p0 [hbm:s0], s1  }
0xcc: {  	s0 =	simm.s32 @!p0 $0x4  }
0xcd: {  	_ =	swait.ge @!p0 [sflag:s0], s1  }
0xce: {  	s1 =	ssub.s32 @!p0 $0x0, s1;
	[sflag:s0] =	ssyncset.done @!p0 $0x0  }
0xcf: {  	[sflag:s0] =	ssyncadd.s32 @!p0 s1  }
0xd0: {  	[bflag:$0x3] =	sbarrier.arrive $0xFFFF  }
0xd1: {  	_ =	shalt  }

</sc_bundles>
